<compile_context>
chip_gen: v7x
topology: tpu7x:2x2x1
jax: 0.10.2.dev20260603
libtpu: 0.0.44.dev20260713+nightly
codegen_flags: <defaults>
</compile_context>

<pallas_src>
import jax
import jax.numpy as jnp
from jax.experimental import pallas as pl
from jax.experimental.pallas import tpu as pltpu
from jax.experimental.pallas import tpu_sc as plsc

_N = 2048
_NELEM = _N * _N
_NC = 2
_NS = 16
_NW = _NC * _NS
_PER_W = _NELEM // _NW
_CH = 16384
_NDMA = _PER_W // _CH


def _sc_fill(move_hbm, o_hbm, mbuf, zbuf, vbuf, msem, sem, vsem):
    c = jax.lax.axis_index("c")
    s = jax.lax.axis_index("s")
    wid = s * _NC + c
    base = wid * _PER_W
    pltpu.async_copy(move_hbm, mbuf.at[pl.ds(0, 2)], msem).wait()
    mv = mbuf[...]
    x = mv[0]
    y = mv[1]

    zero16 = jnp.zeros((16,), jnp.float32)

    @pl.loop(0, _CH // 16, unroll=8)
    def _zero(i):
        zbuf[pl.ds(i * 16, 16)] = zero16

    copies = [
        pltpu.async_copy(zbuf, o_hbm.at[pl.ds(base + k * _CH, _CH)], sem)
        for k in range(_NDMA)
    ]
    for cp in copies:
        cp.wait()

    e = x * _N + y
    e0 = (e // 16) * 16
    lane = e - e0

    @pl.when(jnp.logical_and(e0 >= base, e0 < base + _PER_W))
    def _fix():
        vbuf[...] = jnp.where(
            jax.lax.iota(jnp.int32, 16) == lane,
            jnp.float32(1.0),
            jnp.float32(0.0),
        )
        pltpu.async_copy(vbuf, o_hbm.at[pl.ds(e0, 16)], vsem).wait()


def kernel(board, move):
    move32 = move.astype(jnp.int32)
    mesh = plsc.VectorSubcoreMesh(core_axis_name="c", subcore_axis_name="s")
    flat = pl.kernel(
        _sc_fill,
        out_type=jax.ShapeDtypeStruct((_NELEM,), jnp.float32),
        mesh=mesh,
        scratch_types=[
            pltpu.VMEM((16,), jnp.int32),
            pltpu.VMEM((_CH,), jnp.float32),
            pltpu.VMEM((16,), jnp.float32),
            pltpu.SemaphoreType.DMA,
            pltpu.SemaphoreType.DMA,
            pltpu.SemaphoreType.DMA,
        ],
    )(move32)
    new_board = flat.reshape(_N, _N)
    new_player_1_turn = jnp.logical_not(jnp.asarray(True))
    new_count = 1 + new_player_1_turn.astype(jnp.int32)
    return new_board, new_player_1_turn, new_count

# --- scband reference (transcript-rebuilt; emitter-appended) ---
"""Pipeline reference for scband-black-hole-62706522522042 (READ-ONLY COPY).

The authoritative reference and input builder live on the scoring server;
editing this copy changes nothing except your own understanding.
"""

import jax, jax.numpy as jnp
import numpy as np

PLAYER_1_TURN = True
COUNT = 1


def setup_inputs(seed: int = 0) -> dict:
    key = jax.random.key(seed)
    board = jnp.zeros((2048, 2048), dtype=jnp.float32)
    move = jax.random.randint(jax.random.fold_in(key, 1), (2,), 0, 2048, dtype=jnp.int64 if jax.config.jax_enable_x64 else jnp.int32)
    return {"board": board, "move": move}


def reference(board, move):
    # Faithful translation of BlackHole.play_move: scatter-overwrite a single
    # cell with count * (2*player_1_turn - 1), then flip turn / bump count.
    x, y = move[0], move[1]
    value = jnp.asarray(COUNT * (2 * int(PLAYER_1_TURN) - 1), dtype=board.dtype)
    new_board = board.at[x, y].set(value)
    new_player_1_turn = jnp.logical_not(jnp.asarray(PLAYER_1_TURN))
    new_count = COUNT + new_player_1_turn.astype(jnp.int32)
    return new_board, new_player_1_turn, new_count

if __name__ == "__main__":
    import jax
    _d = setup_inputs()
    print(jax.jit(kernel)(*tuple(_d.values())))

</pallas_src>

<mosaic_0001>
#map = affine_map<(d0, d1) -> (0)>
module attributes {stable_mosaic.version = 14 : i64} {
  func.func @_sc_fill(%arg0: i32, %arg1: i32, %arg2: memref<2xi32, #tpu.memory_space<hbm>>, %arg3: memref<4194304xf32, #tpu.memory_space<hbm>>, %arg4: memref<16xi32, #tpu.memory_space<vmem>>, %arg5: memref<16384xf32, #tpu.memory_space<vmem>>, %arg6: memref<16xf32, #tpu.memory_space<vmem>>, %arg7: memref<!tpu.dma_semaphore, #tpu.memory_space<semaphore_mem>>, %arg8: memref<!tpu.dma_semaphore, #tpu.memory_space<semaphore_mem>>, %arg9: memref<!tpu.dma_semaphore, #tpu.memory_space<semaphore_mem>>) attributes {dimension_semantics = [#tpu.dimension_semantics<core_parallel>, #tpu.dimension_semantics<subcore_parallel>], iteration_bounds = array<i64: 2, 16>, scalar_prefetch = 0 : i64, scratch_operands = 6 : i64, tpu.core_type = #tpu.core_type<sc_vector_subcore>, window_params = [{transform_indices = #map}, {transform_indices = #map}]} {
    %mul3A = arith.constant 2 : i32
    %mul3A_0 = arith.muli %arg1, %mul3A : i32
    %add3A = arith.addi %mul3A_0, %arg0 : i32
    %mul3A_1 = arith.constant 131072 : i32
    %mul3A_2 = arith.muli %add3A, %mul3A_1 : i32
    %dma_start3A = arith.constant 0 : i32
    %dma_start3A_3 = tpu.memref_slice %arg4[%dma_start3A] : memref<16xi32, #tpu.memory_space<vmem>> -> memref<2xi32, #tpu.memory_space<vmem>>
    %dma_start3A_4 = arith.constant 0 : i32
    %dma_start3A_5 = tpu.memref_slice %arg4[%dma_start3A_4] : memref<16xi32, #tpu.memory_space<vmem>> -> memref<2xi32, #tpu.memory_space<vmem>>
    tpu.enqueue_dma source(%arg2 : memref<2xi32, #tpu.memory_space<hbm>>) target(%dma_start3A_5 : memref<2xi32, #tpu.memory_space<vmem>>) target_semaphore(%arg7 : memref<!tpu.dma_semaphore, #tpu.memory_space<semaphore_mem>>)
    %dma_wait3A = arith.constant 0 : i32
    %dma_wait3A_6 = tpu.memref_slice %arg4[%dma_wait3A] : memref<16xi32, #tpu.memory_space<vmem>> -> memref<2xi32, #tpu.memory_space<vmem>>
    %dma_wait3A_7 = arith.constant 0 : i32
    %dma_wait3A_8 = tpu.memref_slice %arg4[%dma_wait3A_7] : memref<16xi32, #tpu.memory_space<vmem>> -> memref<2xi32, #tpu.memory_space<vmem>>
    tpu.wait_dma2 semaphore(%arg7 : memref<!tpu.dma_semaphore, #tpu.memory_space<semaphore_mem>>) src(%arg2 : memref<2xi32, #tpu.memory_space<hbm>>) dst(%dma_wait3A_8 : memref<2xi32, #tpu.memory_space<vmem>>)
    %get3A = arith.constant 0 : index
    %get3A_9 = tpu.vector_load %arg4[%get3A] {strides = array<i32>} : memref<16xi32, #tpu.memory_space<vmem>>, vector<16xi32>,
    %get3A_10 = vector.shape_cast %get3A_9 : vector<16xi32> to vector<16xi32>
    %slice3A = vector.extract_strided_slice %get3A_10 {offsets = [0], sizes = [1], strides = [1]} : vector<16xi32> to vector<1xi32>
    %squeeze3A = vector.extract %slice3A[0] : i32 from vector<1xi32>
    %slice3A_11 = vector.extract_strided_slice %get3A_10 {offsets = [1], sizes = [1], strides = [1]} : vector<16xi32> to vector<1xi32>
    %squeeze3A_12 = vector.extract %slice3A_11[0] : i32 from vector<1xi32>
    %broadcast_in_dim3A = arith.constant 0.000000e+00 : f32
    %broadcast_in_dim3A_13 = vector.broadcast %broadcast_in_dim3A : f32 to vector<16xf32>
    %scan3A = arith.constant 0 : i32
    %scan3A_14 = arith.constant 1024 : i32
    %scan3A_15 = arith.addi %scan3A, %scan3A_14 : i32
    %scan3A_16 = arith.constant 8 : i32
    scf.for %scan3A_92 = %scan3A to %scan3A_15 step %scan3A_16  : i32 {
      %mul3A_93 = arith.constant 1 : i32
      %mul3A_94 = arith.muli %scan3A_92, %mul3A_93 : i32
      %add3A_95 = arith.constant 0 : i32
      %add3A_96 = arith.addi %add3A_95, %mul3A_94 : i32
      %mul3A_97 = arith.constant 16 : i32
      %mul3A_98 = arith.muli %add3A_96, %mul3A_97 : i32
      %swap3A = arith.index_cast %mul3A_98 : i32 to index
      %swap3A_99 = tpu.vector_load %arg5[%swap3A] {strides = array<i32>} : memref<16384xf32, #tpu.memory_space<vmem>>, vector<16xf32>,
      %swap3A_100 = vector.shape_cast %swap3A_99 : vector<16xf32> to vector<16xf32>
      %swap3A_101 = vector.shape_cast %broadcast_in_dim3A_13 : vector<16xf32> to vector<16xf32>
      tpu.vector_store %arg5[%swap3A], %swap3A_101 {strides = array<i32>} : memref<16384xf32, #tpu.memory_space<vmem>>, vector<16xf32>,
      %scan3A_102 = arith.constant 1 : i32
      %scan3A_103 = arith.addi %scan3A_92, %scan3A_102 : i32
      %mul3A_104 = arith.constant 1 : i32
      %mul3A_105 = arith.muli %scan3A_103, %mul3A_104 : i32
      %add3A_106 = arith.constant 0 : i32
      %add3A_107 = arith.addi %add3A_106, %mul3A_105 : i32
      %mul3A_108 = arith.constant 16 : i32
      %mul3A_109 = arith.muli %add3A_107, %mul3A_108 : i32
      %swap3A_110 = arith.index_cast %mul3A_109 : i32 to index
      %swap3A_111 = tpu.vector_load %arg5[%swap3A_110] {strides = array<i32>} : memref<16384xf32, #tpu.memory_space<vmem>>, vector<16xf32>,
      %swap3A_112 = vector.shape_cast %swap3A_111 : vector<16xf32> to vector<16xf32>
      %swap3A_113 = vector.shape_cast %broadcast_in_dim3A_13 : vector<16xf32> to vector<16xf32>
      tpu.vector_store %arg5[%swap3A_110], %swap3A_113 {strides = array<i32>} : memref<16384xf32, #tpu.memory_space<vmem>>, vector<16xf32>,
      %scan3A_114 = arith.constant 2 : i32
      %scan3A_115 = arith.addi %scan3A_92, %scan3A_114 : i32
      %mul3A_116 = arith.constant 1 : i32
      %mul3A_117 = arith.muli %scan3A_115, %mul3A_116 : i32
      %add3A_118 = arith.constant 0 : i32
      %add3A_119 = arith.addi %add3A_118, %mul3A_117 : i32
      %mul3A_120 = arith.constant 16 : i32
      %mul3A_121 = arith.muli %add3A_119, %mul3A_120 : i32
      %swap3A_122 = arith.index_cast %mul3A_121 : i32 to index
      %swap3A_123 = tpu.vector_load %arg5[%swap3A_122] {strides = array<i32>} : memref<16384xf32, #tpu.memory_space<vmem>>, vector<16xf32>,
      %swap3A_124 = vector.shape_cast %swap3A_123 : vector<16xf32> to vector<16xf32>
      %swap3A_125 = vector.shape_cast %broadcast_in_dim3A_13 : vector<16xf32> to vector<16xf32>
      tpu.vector_store %arg5[%swap3A_122], %swap3A_125 {strides = array<i32>} : memref<16384xf32, #tpu.memory_space<vmem>>, vector<16xf32>,
      %scan3A_126 = arith.constant 3 : i32
      %scan3A_127 = arith.addi %scan3A_92, %scan3A_126 : i32
      %mul3A_128 = arith.constant 1 : i32
      %mul3A_129 = arith.muli %scan3A_127, %mul3A_128 : i32
      %add3A_130 = arith.constant 0 : i32
      %add3A_131 = arith.addi %add3A_130, %mul3A_129 : i32
      %mul3A_132 = arith.constant 16 : i32
      %mul3A_133 = arith.muli %add3A_131, %mul3A_132 : i32
      %swap3A_134 = arith.index_cast %mul3A_133 : i32 to index
      %swap3A_135 = tpu.vector_load %arg5[%swap3A_134] {strides = array<i32>} : memref<16384xf32, #tpu.memory_space<vmem>>, vector<16xf32>,
      %swap3A_136 = vector.shape_cast %swap3A_135 : vector<16xf32> to vector<16xf32>
      %swap3A_137 = vector.shape_cast %broadcast_in_dim3A_13 : vector<16xf32> to vector<16xf32>
      tpu.vector_store %arg5[%swap3A_134], %swap3A_137 {strides = array<i32>} : memref<16384xf32, #tpu.memory_space<vmem>>, vector<16xf32>,
      %scan3A_138 = arith.constant 4 : i32
      %scan3A_139 = arith.addi %scan3A_92, %scan3A_138 : i32
      %mul3A_140 = arith.constant 1 : i32
      %mul3A_141 = arith.muli %scan3A_139, %mul3A_140 : i32
      %add3A_142 = arith.constant 0 : i32
      %add3A_143 = arith.addi %add3A_142, %mul3A_141 : i32
      %mul3A_144 = arith.constant 16 : i32
      %mul3A_145 = arith.muli %add3A_143, %mul3A_144 : i32
      %swap3A_146 = arith.index_cast %mul3A_145 : i32 to index
      %swap3A_147 = tpu.vector_load %arg5[%swap3A_146] {strides = array<i32>} : memref<16384xf32, #tpu.memory_space<vmem>>, vector<16xf32>,
      %swap3A_148 = vector.shape_cast %swap3A_147 : vector<16xf32> to vector<16xf32>
      %swap3A_149 = vector.shape_cast %broadcast_in_dim3A_13 : vector<16xf32> to vector<16xf32>
      tpu.vector_store %arg5[%swap3A_146], %swap3A_149 {strides = array<i32>} : memref<16384xf32, #tpu.memory_space<vmem>>, vector<16xf32>,
      %scan3A_150 = arith.constant 5 : i32
      %scan3A_151 = arith.addi %scan3A_92, %scan3A_150 : i32
      %mul3A_152 = arith.constant 1 : i32
      %mul3A_153 = arith.muli %scan3A_151, %mul3A_152 : i32
      %add3A_154 = arith.constant 0 : i32
      %add3A_155 = arith.addi %add3A_154, %mul3A_153 : i32
      %mul3A_156 = arith.constant 16 : i32
      %mul3A_157 = arith.muli %add3A_155, %mul3A_156 : i32
      %swap3A_158 = arith.index_cast %mul3A_157 : i32 to index
      %swap3A_159 = tpu.vector_load %arg5[%swap3A_158] {strides = array<i32>} : memref<16384xf32, #tpu.memory_space<vmem>>, vector<16xf32>,
      %swap3A_160 = vector.shape_cast %swap3A_159 : vector<16xf32> to vector<16xf32>
      %swap3A_161 = vector.shape_cast %broadcast_in_dim3A_13 : vector<16xf32> to vector<16xf32>
      tpu.vector_store %arg5[%swap3A_158], %swap3A_161 {strides = array<i32>} : memref<16384xf32, #tpu.memory_space<vmem>>, vector<16xf32>,
      %scan3A_162 = arith.constant 6 : i32
      %scan3A_163 = arith.addi %scan3A_92, %scan3A_162 : i32
      %mul3A_164 = arith.constant 1 : i32
      %mul3A_165 = arith.muli %scan3A_163, %mul3A_164 : i32
      %add3A_166 = arith.constant 0 : i32
      %add3A_167 = arith.addi %add3A_166, %mul3A_165 : i32
      %mul3A_168 = arith.constant 16 : i32
      %mul3A_169 = arith.muli %add3A_167, %mul3A_168 : i32
      %swap3A_170 = arith.index_cast %mul3A_169 : i32 to index
      %swap3A_171 = tpu.vector_load %arg5[%swap3A_170] {strides = array<i32>} : memref<16384xf32, #tpu.memory_space<vmem>>, vector<16xf32>,
      %swap3A_172 = vector.shape_cast %swap3A_171 : vector<16xf32> to vector<16xf32>
      %swap3A_173 = vector.shape_cast %broadcast_in_dim3A_13 : vector<16xf32> to vector<16xf32>
      tpu.vector_store %arg5[%swap3A_170], %swap3A_173 {strides = array<i32>} : memref<16384xf32, #tpu.memory_space<vmem>>, vector<16xf32>,
      %scan3A_174 = arith.constant 7 : i32
      %scan3A_175 = arith.addi %scan3A_92, %scan3A_174 : i32
      %mul3A_176 = arith.constant 1 : i32
      %mul3A_177 = arith.muli %scan3A_175, %mul3A_176 : i32
      %add3A_178 = arith.constant 0 : i32
      %add3A_179 = arith.addi %add3A_178, %mul3A_177 : i32
      %mul3A_180 = arith.constant 16 : i32
      %mul3A_181 = arith.muli %add3A_179, %mul3A_180 : i32
      %swap3A_182 = arith.index_cast %mul3A_181 : i32 to index
      %swap3A_183 = tpu.vector_load %arg5[%swap3A_182] {strides = array<i32>} : memref<16384xf32, #tpu.memory_space<vmem>>, vector<16xf32>,
      %swap3A_184 = vector.shape_cast %swap3A_183 : vector<16xf32> to vector<16xf32>
      %swap3A_185 = vector.shape_cast %broadcast_in_dim3A_13 : vector<16xf32> to vector<16xf32>
      tpu.vector_store %arg5[%swap3A_182], %swap3A_185 {strides = array<i32>} : memref<16384xf32, #tpu.memory_space<vmem>>, vector<16xf32>,
    }
    %scan3A_17 = arith.constant 1024 : i32
    %add3A_18 = arith.constant 0 : i32
    %add3A_19 = arith.addi %mul3A_2, %add3A_18 : i32
    %dma_start3A_20 = tpu.memref_slice %arg3[%add3A_19] : memref<4194304xf32, #tpu.memory_space<hbm>> -> memref<16384xf32, #tpu.memory_space<hbm>>
    %dma_start3A_21 = tpu.memref_slice %arg3[%add3A_19] : memref<4194304xf32, #tpu.memory_space<hbm>> -> memref<16384xf32, #tpu.memory_space<hbm>>
    tpu.enqueue_dma source(%arg5 : memref<16384xf32, #tpu.memory_space<vmem>>) target(%dma_start3A_21 : memref<16384xf32, #tpu.memory_space<hbm>>) target_semaphore(%arg8 : memref<!tpu.dma_semaphore, #tpu.memory_space<semaphore_mem>>)
    %add3A_22 = arith.constant 16384 : i32
    %add3A_23 = arith.addi %mul3A_2, %add3A_22 : i32
    %dma_start3A_24 = tpu.memref_slice %arg3[%add3A_23] : memref<4194304xf32, #tpu.memory_space<hbm>> -> memref<16384xf32, #tpu.memory_space<hbm>>
    %dma_start3A_25 = tpu.memref_slice %arg3[%add3A_23] : memref<4194304xf32, #tpu.memory_space<hbm>> -> memref<16384xf32, #tpu.memory_space<hbm>>
    tpu.enqueue_dma source(%arg5 : memref<16384xf32, #tpu.memory_space<vmem>>) target(%dma_start3A_25 : memref<16384xf32, #tpu.memory_space<hbm>>) target_semaphore(%arg8 : memref<!tpu.dma_semaphore, #tpu.memory_space<semaphore_mem>>)
    %add3A_26 = arith.constant 32768 : i32
    %add3A_27 = arith.addi %mul3A_2, %add3A_26 : i32
    %dma_start3A_28 = tpu.memref_slice %arg3[%add3A_27] : memref<4194304xf32, #tpu.memory_space<hbm>> -> memref<16384xf32, #tpu.memory_space<hbm>>
    %dma_start3A_29 = tpu.memref_slice %arg3[%add3A_27] : memref<4194304xf32, #tpu.memory_space<hbm>> -> memref<16384xf32, #tpu.memory_space<hbm>>
    tpu.enqueue_dma source(%arg5 : memref<16384xf32, #tpu.memory_space<vmem>>) target(%dma_start3A_29 : memref<16384xf32, #tpu.memory_space<hbm>>) target_semaphore(%arg8 : memref<!tpu.dma_semaphore, #tpu.memory_space<semaphore_mem>>)
    %add3A_30 = arith.constant 49152 : i32
    %add3A_31 = arith.addi %mul3A_2, %add3A_30 : i32
    %dma_start3A_32 = tpu.memref_slice %arg3[%add3A_31] : memref<4194304xf32, #tpu.memory_space<hbm>> -> memref<16384xf32, #tpu.memory_space<hbm>>
    %dma_start3A_33 = tpu.memref_slice %arg3[%add3A_31] : memref<4194304xf32, #tpu.memory_space<hbm>> -> memref<16384xf32, #tpu.memory_space<hbm>>
    tpu.enqueue_dma source(%arg5 : memref<16384xf32, #tpu.memory_space<vmem>>) target(%dma_start3A_33 : memref<16384xf32, #tpu.memory_space<hbm>>) target_semaphore(%arg8 : memref<!tpu.dma_semaphore, #tpu.memory_space<semaphore_mem>>)
    %add3A_34 = arith.constant 65536 : i32
    %add3A_35 = arith.addi %mul3A_2, %add3A_34 : i32
    %dma_start3A_36 = tpu.memref_slice %arg3[%add3A_35] : memref<4194304xf32, #tpu.memory_space<hbm>> -> memref<16384xf32, #tpu.memory_space<hbm>>
    %dma_start3A_37 = tpu.memref_slice %arg3[%add3A_35] : memref<4194304xf32, #tpu.memory_space<hbm>> -> memref<16384xf32, #tpu.memory_space<hbm>>
    tpu.enqueue_dma source(%arg5 : memref<16384xf32, #tpu.memory_space<vmem>>) target(%dma_start3A_37 : memref<16384xf32, #tpu.memory_space<hbm>>) target_semaphore(%arg8 : memref<!tpu.dma_semaphore, #tpu.memory_space<semaphore_mem>>)
    %add3A_38 = arith.constant 81920 : i32
    %add3A_39 = arith.addi %mul3A_2, %add3A_38 : i32
    %dma_start3A_40 = tpu.memref_slice %arg3[%add3A_39] : memref<4194304xf32, #tpu.memory_space<hbm>> -> memref<16384xf32, #tpu.memory_space<hbm>>
    %dma_start3A_41 = tpu.memref_slice %arg3[%add3A_39] : memref<4194304xf32, #tpu.memory_space<hbm>> -> memref<16384xf32, #tpu.memory_space<hbm>>
    tpu.enqueue_dma source(%arg5 : memref<16384xf32, #tpu.memory_space<vmem>>) target(%dma_start3A_41 : memref<16384xf32, #tpu.memory_space<hbm>>) target_semaphore(%arg8 : memref<!tpu.dma_semaphore, #tpu.memory_space<semaphore_mem>>)
    %add3A_42 = arith.constant 98304 : i32
    %add3A_43 = arith.addi %mul3A_2, %add3A_42 : i32
    %dma_start3A_44 = tpu.memref_slice %arg3[%add3A_43] : memref<4194304xf32, #tpu.memory_space<hbm>> -> memref<16384xf32, #tpu.memory_space<hbm>>
    %dma_start3A_45 = tpu.memref_slice %arg3[%add3A_43] : memref<4194304xf32, #tpu.memory_space<hbm>> -> memref<16384xf32, #tpu.memory_space<hbm>>
    tpu.enqueue_dma source(%arg5 : memref<16384xf32, #tpu.memory_space<vmem>>) target(%dma_start3A_45 : memref<16384xf32, #tpu.memory_space<hbm>>) target_semaphore(%arg8 : memref<!tpu.dma_semaphore, #tpu.memory_space<semaphore_mem>>)
    %add3A_46 = arith.constant 114688 : i32
    %add3A_47 = arith.addi %mul3A_2, %add3A_46 : i32
    %dma_start3A_48 = tpu.memref_slice %arg3[%add3A_47] : memref<4194304xf32, #tpu.memory_space<hbm>> -> memref<16384xf32, #tpu.memory_space<hbm>>
    %dma_start3A_49 = tpu.memref_slice %arg3[%add3A_47] : memref<4194304xf32, #tpu.memory_space<hbm>> -> memref<16384xf32, #tpu.memory_space<hbm>>
    tpu.enqueue_dma source(%arg5 : memref<16384xf32, #tpu.memory_space<vmem>>) target(%dma_start3A_49 : memref<16384xf32, #tpu.memory_space<hbm>>) target_semaphore(%arg8 : memref<!tpu.dma_semaphore, #tpu.memory_space<semaphore_mem>>)
    %dma_wait3A_50 = tpu.memref_slice %arg3[%add3A_19] : memref<4194304xf32, #tpu.memory_space<hbm>> -> memref<16384xf32, #tpu.memory_space<hbm>>
    %dma_wait3A_51 = tpu.memref_slice %arg3[%add3A_19] : memref<4194304xf32, #tpu.memory_space<hbm>> -> memref<16384xf32, #tpu.memory_space<hbm>>
    tpu.wait_dma2 semaphore(%arg8 : memref<!tpu.dma_semaphore, #tpu.memory_space<semaphore_mem>>) src(%arg5 : memref<16384xf32, #tpu.memory_space<vmem>>) dst(%dma_wait3A_51 : memref<16384xf32, #tpu.memory_space<hbm>>)
    %dma_wait3A_52 = tpu.memref_slice %arg3[%add3A_23] : memref<4194304xf32, #tpu.memory_space<hbm>> -> memref<16384xf32, #tpu.memory_space<hbm>>
    %dma_wait3A_53 = tpu.memref_slice %arg3[%add3A_23] : memref<4194304xf32, #tpu.memory_space<hbm>> -> memref<16384xf32, #tpu.memory_space<hbm>>
    tpu.wait_dma2 semaphore(%arg8 : memref<!tpu.dma_semaphore, #tpu.memory_space<semaphore_mem>>) src(%arg5 : memref<16384xf32, #tpu.memory_space<vmem>>) dst(%dma_wait3A_53 : memref<16384xf32, #tpu.memory_space<hbm>>)
    %dma_wait3A_54 = tpu.memref_slice %arg3[%add3A_27] : memref<4194304xf32, #tpu.memory_space<hbm>> -> memref<16384xf32, #tpu.memory_space<hbm>>
    %dma_wait3A_55 = tpu.memref_slice %arg3[%add3A_27] : memref<4194304xf32, #tpu.memory_space<hbm>> -> memref<16384xf32, #tpu.memory_space<hbm>>
    tpu.wait_dma2 semaphore(%arg8 : memref<!tpu.dma_semaphore, #tpu.memory_space<semaphore_mem>>) src(%arg5 : memref<16384xf32, #tpu.memory_space<vmem>>) dst(%dma_wait3A_55 : memref<16384xf32, #tpu.memory_space<hbm>>)
    %dma_wait3A_56 = tpu.memref_slice %arg3[%add3A_31] : memref<4194304xf32, #tpu.memory_space<hbm>> -> memref<16384xf32, #tpu.memory_space<hbm>>
    %dma_wait3A_57 = tpu.memref_slice %arg3[%add3A_31] : memref<4194304xf32, #tpu.memory_space<hbm>> -> memref<16384xf32, #tpu.memory_space<hbm>>
    tpu.wait_dma2 semaphore(%arg8 : memref<!tpu.dma_semaphore, #tpu.memory_space<semaphore_mem>>) src(%arg5 : memref<16384xf32, #tpu.memory_space<vmem>>) dst(%dma_wait3A_57 : memref<16384xf32, #tpu.memory_space<hbm>>)
    %dma_wait3A_58 = tpu.memref_slice %arg3[%add3A_35] : memref<4194304xf32, #tpu.memory_space<hbm>> -> memref<16384xf32, #tpu.memory_space<hbm>>
    %dma_wait3A_59 = tpu.memref_slice %arg3[%add3A_35] : memref<4194304xf32, #tpu.memory_space<hbm>> -> memref<16384xf32, #tpu.memory_space<hbm>>
    tpu.wait_dma2 semaphore(%arg8 : memref<!tpu.dma_semaphore, #tpu.memory_space<semaphore_mem>>) src(%arg5 : memref<16384xf32, #tpu.memory_space<vmem>>) dst(%dma_wait3A_59 : memref<16384xf32, #tpu.memory_space<hbm>>)
    %dma_wait3A_60 = tpu.memref_slice %arg3[%add3A_39] : memref<4194304xf32, #tpu.memory_space<hbm>> -> memref<16384xf32, #tpu.memory_space<hbm>>
    %dma_wait3A_61 = tpu.memref_slice %arg3[%add3A_39] : memref<4194304xf32, #tpu.memory_space<hbm>> -> memref<16384xf32, #tpu.memory_space<hbm>>
    tpu.wait_dma2 semaphore(%arg8 : memref<!tpu.dma_semaphore, #tpu.memory_space<semaphore_mem>>) src(%arg5 : memref<16384xf32, #tpu.memory_space<vmem>>) dst(%dma_wait3A_61 : memref<16384xf32, #tpu.memory_space<hbm>>)
    %dma_wait3A_62 = tpu.memref_slice %arg3[%add3A_43] : memref<4194304xf32, #tpu.memory_space<hbm>> -> memref<16384xf32, #tpu.memory_space<hbm>>
    %dma_wait3A_63 = tpu.memref_slice %arg3[%add3A_43] : memref<4194304xf32, #tpu.memory_space<hbm>> -> memref<16384xf32, #tpu.memory_space<hbm>>
    tpu.wait_dma2 semaphore(%arg8 : memref<!tpu.dma_semaphore, #tpu.memory_space<semaphore_mem>>) src(%arg5 : memref<16384xf32, #tpu.memory_space<vmem>>) dst(%dma_wait3A_63 : memref<16384xf32, #tpu.memory_space<hbm>>)
    %dma_wait3A_64 = tpu.memref_slice %arg3[%add3A_47] : memref<4194304xf32, #tpu.memory_space<hbm>> -> memref<16384xf32, #tpu.memory_space<hbm>>
    %dma_wait3A_65 = tpu.memref_slice %arg3[%add3A_47] : memref<4194304xf32, #tpu.memory_space<hbm>> -> memref<16384xf32, #tpu.memory_space<hbm>>
    tpu.wait_dma2 semaphore(%arg8 : memref<!tpu.dma_semaphore, #tpu.memory_space<semaphore_mem>>) src(%arg5 : memref<16384xf32, #tpu.memory_space<vmem>>) dst(%dma_wait3A_65 : memref<16384xf32, #tpu.memory_space<hbm>>)
    %mul3A_66 = arith.constant 2048 : i32
    %mul3A_67 = arith.muli %squeeze3A, %mul3A_66 : i32
    %add3A_68 = arith.addi %mul3A_67, %squeeze3A_12 : i32
    %jit3A = arith.constant 16 : i32
    %div3A = arith.divsi %add3A_68, %jit3A : i32
    %sign3A = arith.constant 0 : i32
    %sign3A_69 = arith.cmpi sgt, %add3A_68, %sign3A : i32
    %sign3A_70 = arith.extui %sign3A_69 : i1 to i32
    %sign3A_71 = arith.constant 0 : i32
    %sign3A_72 = arith.cmpi slt, %add3A_68, %sign3A_71 : i32
    %sign3A_73 = arith.extui %sign3A_72 : i1 to i32
    %sign3A_74 = arith.subi %sign3A_70, %sign3A_73 : i32
    %sign3A_75 = arith.constant 0 : i32
    %sign3A_76 = arith.cmpi sgt, %jit3A, %sign3A_75 : i32
    %sign3A_77 = arith.extui %sign3A_76 : i1 to i32
    %sign3A_78 = arith.constant 0 : i32
    %sign3A_79 = arith.cmpi slt, %jit3A, %sign3A_78 : i32
    %sign3A_80 = arith.extui %sign3A_79 : i1 to i32
    %sign3A_81 = arith.subi %sign3A_77, %sign3A_80 : i32
    %ne3A = arith.cmpi ne, %sign3A_74, %sign3A_81 : i32
    %rem3A = arith.remsi %add3A_68, %jit3A : i32
    %ne3A_82 = arith.constant 0 : i32
    %ne3A_83 = arith.cmpi ne, %rem3A, %ne3A_82 : i32
    %and3A = arith.andi %ne3A, %ne3A_83 : i1
    %sub3A = arith.constant 1 : i32
    %sub3A_84 = arith.subi %div3A, %sub3A : i32
    %select_n3A = arith.select %and3A, %sub3A_84, %div3A : i32
    %mul3A_85 = arith.constant 16 : i32
    %mul3A_86 = arith.muli %select_n3A, %mul3A_85 : i32
    %sub3A_87 = arith.subi %add3A_68, %mul3A_86 : i32
    %ge3A = arith.cmpi sge, %mul3A_86, %mul3A_2 : i32
    %add3A_88 = arith.constant 131072 : i32
    %add3A_89 = arith.addi %mul3A_2, %add3A_88 : i32
    %lt3A = arith.cmpi slt, %mul3A_86, %add3A_89 : i32
    %and3A_90 = arith.andi %ge3A, %lt3A : i1
    %convert_element_type3A = arith.extui %and3A_90 : i1 to i32
    %cond3A = arith.constant 0 : i32
    %cond3A_91 = arith.cmpi ne, %convert_element_type3A, %cond3A : i32
    scf.if %cond3A_91 {
      %iota3A = tpu.iota {dimensions = array<i32: 0>} : vector<16xi32>
      %eq3A = vector.broadcast %sub3A_87 : i32 to vector<16xi32>
      %eq3A_92 = arith.cmpi eq, %iota3A, %eq3A : vector<16xi32>
      %jit3A_93 = arith.constant 1.000000e+00 : f32
      %jit3A_94 = arith.constant 0.000000e+00 : f32
      %broadcast_in_dim3A_95 = vector.broadcast %jit3A_93 : f32 to vector<16xf32>
      %broadcast_in_dim3A_96 = vector.broadcast %jit3A_94 : f32 to vector<16xf32>
      %select_n3A_97 = arith.select %eq3A_92, %broadcast_in_dim3A_95, %broadcast_in_dim3A_96 : vector<16xi1>, vector<16xf32>
      %swap3A = arith.constant 0 : index
      %swap3A_98 = tpu.vector_load %arg6[%swap3A] {strides = array<i32>} : memref<16xf32, #tpu.memory_space<vmem>>, vector<16xf32>,
      %swap3A_99 = vector.shape_cast %swap3A_98 : vector<16xf32> to vector<16xf32>
      %swap3A_100 = vector.shape_cast %select_n3A_97 : vector<16xf32> to vector<16xf32>
      tpu.vector_store %arg6[%swap3A], %swap3A_100 {strides = array<i32>} : memref<16xf32, #tpu.memory_space<vmem>>, vector<16xf32>,
      %dma_start3A_101 = tpu.memref_slice %arg3[%mul3A_86] : memref<4194304xf32, #tpu.memory_space<hbm>> -> memref<16xf32, #tpu.memory_space<hbm>>
      %dma_start3A_102 = tpu.memref_slice %arg3[%mul3A_86] : memref<4194304xf32, #tpu.memory_space<hbm>> -> memref<16xf32, #tpu.memory_space<hbm>>
      tpu.enqueue_dma source(%arg6 : memref<16xf32, #tpu.memory_space<vmem>>) target(%dma_start3A_102 : memref<16xf32, #tpu.memory_space<hbm>>) target_semaphore(%arg9 : memref<!tpu.dma_semaphore, #tpu.memory_space<semaphore_mem>>)
      %dma_wait3A_103 = tpu.memref_slice %arg3[%mul3A_86] : memref<4194304xf32, #tpu.memory_space<hbm>> -> memref<16xf32, #tpu.memory_space<hbm>>
      %dma_wait3A_104 = tpu.memref_slice %arg3[%mul3A_86] : memref<4194304xf32, #tpu.memory_space<hbm>> -> memref<16xf32, #tpu.memory_space<hbm>>
      tpu.wait_dma2 semaphore(%arg9 : memref<!tpu.dma_semaphore, #tpu.memory_space<semaphore_mem>>) src(%arg6 : memref<16xf32, #tpu.memory_space<vmem>>) dst(%dma_wait3A_104 : memref<16xf32, #tpu.memory_space<hbm>>)
    } else {
    }
    return
  }
}

</mosaic_0001>

<sc_bundles>
// kernel: kernel.3.cloned.1.call-start
scs
__scs_entry_jumppad:
0x0: {  	(pc) =	sbr.rel $0x88, $3  }
0x1: {  	(tag) =	ssettag $0x0;
	lr =	simm.s32 $0x1  }
0x2: {  	[smem:$0x3FA0] =	sst lr;
	_ =	strace $0xD0000000  }
0x3: {  	_ = 	snop  }
0x4: {  	_ = 	snop  }
0x5: {  	_ = 	snop  }
0x6: {  	_ = 	snop  }
0x7: {  	_ = 	snop  }
__scs_overlays_trampoline_lowered:
0x8: {  	[smem:$0x3FAF] =	sst s0  }
0x9: {  	[smem:$0x3FB0] =	sst s1  }
0xa: {  	[smem:$0x3FB1] =	sst s2  }
0xb: {  	[smem:$0x3FB2] =	sst s3  }
0xc: {  	[smem:$0x3FB3] =	sst s4  }
0xd: {  	[smem:$0x3FB4] =	sst s5  }
0xe: {  	[smem:$0x3FB5] =	sst s6  }
0xf: {  	[smem:$0x3FB6] =	sst s7  }
0x10: {  	[smem:$0x3FB7] =	sst s8  }
0x11: {  	[smem:$0x3FB8] =	sst s9;
	s0 =	simm.s32 @!p0 $0x0  }
0x12: {  	s1 =	sld [smem:$0x3F9E];
	s0 =	simm.s32 @p0 $0x1  }
0x13: {  	[smem:$0x3FB9] =	sst s0;
	s0 =	simm.s32 @!p1 $0x0  }
0x14: {  	s2 =	sld [smem:$0x3F9D];
	s0 =	simm.s32 @p1 $0x1  }
0x15: {  	[smem:$0x3FBA] =	sst s0;
	s0 =	simm.s32 @!p2 $0x0  }
0x16: {  	s3 =	sld [smem:$0x3FDB];
	s0 =	simm.s32 @p2 $0x1  }
0x17: {  	s4 =	simm.s32 $0x1BF5;
	[smem:$0x3FBC] =	sst s0  }
0x18: {  	s0 =	sld [smem:$0x3F9F];
	_ =	swait.ge [sflag:s4], $0x0  }
0x19: {  	s7 =	sld [smem:$0x3FA0]  }
0x1a: {  	s8 =	sadd.s32 $0xFFFFE003, lr  }
0x1b: {  	s9 =	sadd.s32 $0xFFFFFEF7, lr;
	s5 =	simm.s32 $0xFFFFFFFF;
	p2 =	slt.u32 s8, $0xFFFFF086  }
0x1c: {  	p1 =	slt.u32 s9, $0xF7A;
	s5 =	simm.s32 @!p2 $0x0  }
0x1d: {  	s5 =	simm.s32 @p1 $0x1;
	p0 =	seq.s32 s7, s2  }
0x1e: {  	s7 =	smul.u32 @!p0 $0xF7A, s2;
	p2 =	seq.s32 @!p0 s5, $0x0  }
0x1f: {  	s9 =	smul.u32 $0xF7A, s1;
	s8 =	simm.s32 @!p0 $0x1BF5;
	p2 =	por !p2, p0  }
0x20: {  	[sflag:s8] =	ssyncset.s32 @!p0 $0xFFFFF086;
	s6 =	sadd.s32 @!p0 s3, s7;
	s7 =	simm.s32 @!p0 $0x108  }
0x21: {  	s3 =	sadd.s32 s3, s9;
	s6 =	sadd.s32 @!p0 $0x88, s6;
	s7 =	simm.s32 @p2 $0x1082  }
0x22: {  	[simem:s7], [sflag:s8] =	dma.local @!p0 [hbm:s6], $0xF7A  }
0x23: {  	s9 =	sor.u32 $0xD0000000, s2;
	s6 =	simm.s32 $0x108;
	_ =	swait.ge @!p0 [sflag:s8], $0x0  }
0x24: {  	s3 =	sadd.s32 $0x88, s3;
	s6 =	simm.s32 @!p1 $0x1082;
	[sflag:s4] =	ssyncset.s32 $0xFFFFF086  }
0x25: {  	[simem:s6], [sflag:s4] =	dma.local [hbm:s3], $0xF7A  }
0x26: {  	[smem:$0x3FA0] =	sst s1;
	(tag) =	ssettag s2;
	_ =	strace s9  }
0x27: {  	s1 =	sld [smem:$0x3FB0]  }
0x28: {  	s2 =	sld [smem:$0x3FB1]  }
0x29: {  	s4 =	sld [smem:$0x3FB3]  }
0x2a: {  	p0 =	seq.s32 s5, $0x0;
	s5 =	sld [smem:$0x3FB4]  }
0x2b: {  	s6 =	sld [smem:$0x3FB5]  }
0x2c: {  	s7 =	sld [smem:$0x3FB6]  }
0x2d: {  	s3 =	simm.s32 $0x108;
	s8 =	sld [smem:$0x3FB7]  }
0x2e: {  	s3 =	simm.s32 @!p0 $0x1082;
	s9 =	sld [smem:$0x3FB8]  }
0x2f: {  	lr =	sadd.s32 s0, s3;
	s0 =	sld [smem:$0x3FAF]  }
0x30: {  	s3 =	sld [smem:$0x3FB2]  }
0x31: {  	[smem:$0x3FBB] =	sst s10  }
0x32: {  	s10 =	sld [smem:$0x3FB9];
	_ =	sdelay $0x3  }
0x33: {  	p0 =	seq.s32 s10, $0x1;
	s10 =	sld [smem:$0x3FBB];
	_ =	sdelay $0x3  }
0x34: {  	[smem:$0x3FBB] =	sst s10  }
0x35: {  	s10 =	sld [smem:$0x3FBA];
	_ =	sdelay $0x3  }
0x36: {  	p1 =	seq.s32 s10, $0x1;
	s10 =	sld [smem:$0x3FBB];
	_ =	sdelay $0x3  }
0x37: {  	[smem:$0x3FBB] =	sst s10  }
0x38: {  	s10 =	sld [smem:$0x3FBC]  }
0x39: {  	_ = 	snop;
	(pc) =	sbr.ind lr, $3  }
0x3a: {  	_ = 	snop  }
0x3b: {  	_ = 	snop  }
0x3c: {  	p2 =	seq.s32 s10, $0x1;
	s10 =	sld [smem:$0x3FBB]  }
0x3d: {  	_ =	shalt  }
0x3e: {  	_ =	shalt  }
0x3f: {  	_ =	shalt  }
0x40: {  	_ =	shalt  }
0x41: {  	_ =	shalt  }
0x42: {  	_ =	shalt  }
0x43: {  	_ =	shalt  }
0x44: {  	_ =	shalt  }
0x45: {  	_ =	shalt  }
0x46: {  	_ =	shalt  }
0x47: {  	_ =	shalt  }
0x48: {  	_ =	shalt  }
0x49: {  	_ =	shalt  }
0x4a: {  	_ =	shalt  }
0x4b: {  	_ =	shalt  }
0x4c: {  	_ =	shalt  }
0x4d: {  	_ =	shalt  }
0x4e: {  	_ =	shalt  }
0x4f: {  	_ =	shalt  }
0x50: {  	_ =	shalt  }
0x51: {  	_ =	shalt  }
0x52: {  	_ =	shalt  }
0x53: {  	_ =	shalt  }
0x54: {  	_ =	shalt  }
0x55: {  	_ =	shalt  }
0x56: {  	_ =	shalt  }
0x57: {  	_ =	shalt  }
0x58: {  	_ =	shalt  }
0x59: {  	_ =	shalt  }
0x5a: {  	_ =	shalt  }
0x5b: {  	_ =	shalt  }
0x5c: {  	_ =	shalt  }
0x5d: {  	_ =	shalt  }
0x5e: {  	_ =	shalt  }
0x5f: {  	_ =	shalt  }
0x60: {  	_ =	shalt  }
0x61: {  	_ =	shalt  }
0x62: {  	_ =	shalt  }
0x63: {  	_ =	shalt  }
0x64: {  	_ =	shalt  }
0x65: {  	_ =	shalt  }
0x66: {  	_ =	shalt  }
0x67: {  	_ =	shalt  }
0x68: {  	_ =	shalt  }
0x69: {  	_ =	shalt  }
0x6a: {  	_ =	shalt  }
0x6b: {  	_ =	shalt  }
0x6c: {  	_ =	shalt  }
0x6d: {  	_ =	shalt  }
0x6e: {  	_ =	shalt  }
0x6f: {  	_ =	shalt  }
0x70: {  	_ =	shalt  }
0x71: {  	_ =	shalt  }
0x72: {  	_ =	shalt  }
0x73: {  	_ =	shalt  }
0x74: {  	_ =	shalt  }
0x75: {  	_ =	shalt  }
0x76: {  	_ =	shalt  }
0x77: {  	_ =	shalt  }
0x78: {  	_ =	shalt  }
0x79: {  	_ =	shalt  }
0x7a: {  	_ =	shalt  }
0x7b: {  	_ =	shalt  }
0x7c: {  	_ =	shalt  }
0x7d: {  	_ =	shalt  }
0x7e: {  	_ =	shalt  }
0x7f: {  	_ =	shalt  }
0x80: {  	_ =	shalt  }
0x81: {  	_ =	shalt  }
0x82: {  	_ =	shalt  }
0x83: {  	_ =	shalt  }
0x84: {  	_ =	shalt  }
0x85: {  	_ =	shalt  }
0x86: {  	_ =	shalt  }
0x87: {  	_ =	shalt  }
.Lfunc_end0:
.L_simem_size_0:
called_computation_lowered:
.L_overlay_start_0:
0x88: {  	s2 =	sld [smem:$0x3FD9]  }
0x89: {  	s3 =	sld [smem:$0x3FFE];
	_ =	sdelay $0x1  }
0x8a: {  	s1 =	srdreg.scid  }
0x8b: {  	s0 =	sand.u32 $0x1, s1  }
0x8c: {  	s17 =	sshll.u32 s0, $0xA;
	s2 =	sadd.s32 s3, s2  }
0x8d: {  	s2 =	sadd.s32 s2, s17  }
0x8e: {  	[smem:$0x3FC7] =	sst s2  }
0x8f: {  	_ = 	snop  }
0x90: {  	s2 =	sld [smem:$0x3FC9];
	(tm) =	ssettm $0x1  }
0x91: {  	s18 =	sld [smem:$0x3FFB];
	_ =	sdelay $0x3  }
0x92: {  	_ =	strace s18  }
0x93: {  	s3 =	sld [smem:$0x3FFC];
	_ =	sdelay $0x3  }
0x94: {  	_ =	strace s3  }
0x95: {  	s3 =	sld [smem:$0x3FFD];
	_ =	sdelay $0x3  }
0x96: {  	_ =	strace s3  }
0x97: {  	_ =	strace $0x8FFFFFFF  }
0x98: {  	s19 =	sld [smem:$0x3FDB];
	_ =	sdelay $0x1  }
0x99: {  	s4 =	simm.s32 $_scs_section_size  }
0x9a: {  	s5 =	simm.s32 $_size__tile_overlayer_lowered;
	s6 =	simm.s32 $_tile_overlayer_lowered  }
0x9b: {  	s22 =	simm.s32 $0x1BFF;
	s21 =	sshll.u32 s6, $0x1;
	s3 =	sadd.s32 s4, s19  }
0x9c: {  	s7 =	simm.s32 $0x0;
	s20 =	sshll.u32 s5, $0x1;
	s5 =	sadd.s32 s21, s3  }
0x9d: {  	[timem:s7], [sflag:s22] =	dma.local [hbm:s5], s20  }
0x9e: {  	_ =	swait.ge [sflag:s22], s20  }
0x9f: {  	s4 =	ssub.s32 $0x0, s20;
	[sflag:s22] =	ssyncset.done $0x0  }
0xa0: {  	[sflag:s22] =	ssyncadd.s32 s4;
	_ =	sdelay $0x1  }
0xa1: {  	s23 =	simm.s32 $0x1B8B  }
0xa2: {  	_ =	swait.ge [sflag:s23], $0x1  }
0xa3: {  	[sflag:s23] =	ssyncset.done $0x0  }
0xa4: {  	s25 =	simm.s32 $0x1B8E;
	s24 =	sld [smem:$0x3FFE];
	[sflag:s23] =	ssyncadd.s32 $0xFFFFFFFF  }
0xa5: {  	s26 =	simm.s32 $execute0_lowered;
	[smem:$0x3FD2] =	sst s25  }
0xa6: {  	s5 =	sshll.u32 s26, $0x1;
	_ =	strace $0x80000046;
	[dreg:$0x1] =	wrdreg $0xFFFFFFFF  }
0xa7: {  	s28 =	simm.s32 $_size_execute0_lowered;
	s3 =	sadd.s32 s3, s5;
	[dreg:$0x0] =	wrdreg $0x0  }
0xa8: {  	s5 =	sshll.u32 s28, $0x1;
	[dreg:$0x2] =	wrdreg s3  }
0xa9: {  	[dreg:$0x3] =	wrdreg s5  }
0xaa: {  	[dreg:$0x4] =	wrdreg $0xC0  }
0xab: {  	_ =	task [dreg:s7], $0x5FFFF  }
0xac: {  	[dreg:$0x1] =	wrdreg $0xFFFFFFFF  }
0xad: {  	[dreg:$0x0] =	wrdreg $0x60  }
0xae: {  	[dreg:$0x2] =	wrdreg s2  }
0xaf: {  	[dreg:$0x3] =	wrdreg s24  }
0xb0: {  	[dreg:$0x4] =	wrdreg $0x9  }
0xb1: {  	_ =	task.clear_ibuf [dreg:s7], $0x5FFFF;
	_ =	strace $0x90000046  }
0xb2: {  	s29 =	simm.s32 $0x9;
	_ =	strace $0x80000048  }
0xb3: {  	_ =	swait.ge [sflag:s29], $0x1  }
0xb4: {  	[sflag:s29] =	ssyncadd.s32 $0xFFFFFFFF  }
0xb5: {  	_ =	strace $0x90000048  }
0xb6: {  	_ =	sfence  }
0xb7: {  	s30 =	sld [smem:$0x0];
	_ =	sdelay $0x2  }
0xb8: {  	s31 =	sshll.u32 s1, $0xD;
	s1 =	sshrl.u32 s1, $0x2  }
0xb9: {  	s3 =	sand.u32 $0x4000, s31;
	s1 =	sadd.s32 s1, s30  }
0xba: {  	s0 =	sor.u32 s3, s0;
	s1 =	sshll.u32 s1, $0x11  }
0xbb: {  	s0 =	sor.u32 s1, s0  }
0xbc: {  	s0 =	sadd.s32 $0x8F2B, s0  }
0xbd: {  	[sflag:s0] =	ssyncadd.remote.s32 $0x1  }
0xbe: {  	_ =	sfence.sel $0xFFFF  }
0xbf: {  	[dreg:$0x0] =	wrdreg $0xFFFFFFFF;
	(pc) =	sbr.abs _section_cstart, $3  }
0xc0: {  	[dreg:$0x1] =	wrdreg $0xFFFFFFFF  }
0xc1: {  	_ =	task.clear_ibuf [dreg:s7], $0x2FFFF;
	_ =	strace $0x9FFFFFFF  }
0xc2: {  	(tm) =	ssettm $0x7FFFFFFF  }
0xc3: {  	_ =	shalt  }
tec
execute0_lowered:
.L_overlay_start_1:
0x0: {  	(tag) =	ssettag $0x1  }
0x1: {  	s1 =	srdreg.scid;
	s2 =	rddreg [dreg:$0x0]  }
0x2: {  	s0 =	stileid.u32;
	s5 =	rddreg [dreg:$0x1]  }
0x3: {  	s3 =	simm.s32 $0x0;
	s16 =	simm.s32 $0x1;
	s17 =	simm.s32 $0x80  }
0x4: {  	s18 =	simm.s32 $0x2;
	s19 =	simm.s32 $0x0;
	s6 =	sand.u32 $0x1, s1  }
0x5: {  	s4 =	sshll.u32 s0, $0x12;
	s1 =	rddreg [dreg:$0x2];
	s7 =	sshll.u32 s6, $0x11  }
0x6: {  	s5 =	sadd.s32 $0x400, s5;
	s30 =	ssub.s32 $0x2, s6;
	s4 =	sor.u32 s7, s4  }
0x7: {  	[smem:$0x7FF] =	sst s3;
	s8 =	sshrl.u32 s30, $0x1;
	s31 =	sshrl.u32 s4, $0x3  }
0x8: {  	_ =	strace $0x80000047;
	s15 =	ssub.s32 s30, s8;
	s6 =	sadd.s32 s5, s31  }
0x9: {  	s14 =	sadd.s32 $0x20000, s4;
	s15 =	smax.u32 s15, $0x1;
	s7 =	sadd.s32 $0x800, s6  }
0xa: {  	s8 =	sadd.s32 $0x1000, s6;
	s9 =	sadd.s32 $0x1800, s6;
	s10 =	sadd.s32 $0x2000, s6  }
0xb: {  	v0 =	vimm.f32 $0.0e+00;
	s11 =	sadd.s32 $0x2800, s6;
	s12 =	sadd.s32 $0x3000, s6;
	s13 =	sadd.s32 $0x3800, s6  }
.LBB2_1:
0xc: {  	[tilespmem:s3], [sflag:$0x1] =	stream.linear.gather [hbm4b:s2+s3], $0x2, $0x38;
	[tilespmem:$0x4100] =	vst v63  }
0xd: {  	_ =	swait.ge [sflag:s16], $0x2  }
0xe: {  	[sflag:s16] =	ssyncset.done $0x0  }
0xf: {  	s20 =	simm.s32 $0xC0;
	[sflag:s16] =	ssyncadd.s32 $0xFFFFFFFE  }
0x10: {  	v1 =	vld [tilespmem:$0x0];
	[tilespmem:s20+$0xFFFFFFC0] =	vst v0  }
0x11: {  	[tilespmem:s20+$0x30] =	vst v0  }
0x12: {  	[tilespmem:s20+$0x20] =	vst v0  }
0x13: {  	[tilespmem:s20+$0x10] =	vst v0  }
0x14: {  	[tilespmem:s20+$0x0] =	vst v0  }
0x15: {  	[tilespmem:s20+$0xFFFFFFF0] =	vst v0  }
0x16: {  	s21 =	simm.s32 $0x0;
	[tilespmem:s20+$0xFFFFFFE0] =	vst v0  }
.LBB2_2:
0x17: {  	s21 =	sadd.s32 $0x8, s21;
	[tilespmem:s20+$0xFFFFFFD0] =	vst v0;
	s20 =	sadd.s32 $0x80, s20  }
0x18: {  	[tilespmem:s20+$0xFFFFFFC0] =	vst v0;
	p0 =	slt.u32 s21, $0x3F8  }
0x19: {  	[tilespmem:s20+$0x30] =	vst v0  }
.Ltmp0:
0x1a: {  	[tilespmem:s20+$0x20] =	vst v0;
	(pc) =	sbr.rel @p0 .LBB2_2-.Ltmp0, $4  }
0x1b: {  	[tilespmem:s20+$0x10] =	vst v0  }
0x1c: {  	[tilespmem:s20+$0x0] =	vst v0  }
0x1d: {  	[tilespmem:s20+$0xFFFFFFF0] =	vst v0  }
0x1e: {  	[tilespmem:s20+$0xFFFFFFE0] =	vst v0  }
0x1f: {  	(v2sf) =	vpush v1, $0x0  }
0x20: {  	[tilespmem:s20+$0xFFFFFFD0] =	vst v0  }
0x21: {  	(v2sf) =	vpush v1, $0x1;
	[hbm4b:s6+s3] =	stream.linear.scatter [tilespmem:s17], [sflag:$0x2], $0x4000, $0x38;
	[tilespmem:$0x4100] =	vst v63  }
0x22: {  	_ = 	snop  }
0x23: {  	[hbm4b:s7+s3] =	stream.linear.scatter [tilespmem:s17], [sflag:$0x2], $0x4000, $0x38;
	[tilespmem:$0x4100] =	vst v63  }
0x24: {  	_ = 	snop  }
0x25: {  	[hbm4b:s8+s3] =	stream.linear.scatter [tilespmem:s17], [sflag:$0x2], $0x4000, $0x38;
	[tilespmem:$0x4100] =	vst v63  }
0x26: {  	_ = 	snop  }
0x27: {  	[hbm4b:s9+s3] =	stream.linear.scatter [tilespmem:s17], [sflag:$0x2], $0x4000, $0x38;
	[tilespmem:$0x4100] =	vst v63  }
0x28: {  	_ = 	snop  }
0x29: {  	[hbm4b:s10+s3] =	stream.linear.scatter [tilespmem:s17], [sflag:$0x2], $0x4000, $0x38;
	[tilespmem:$0x4100] =	vst v63  }
0x2a: {  	_ = 	snop  }
0x2b: {  	[hbm4b:s11+s3] =	stream.linear.scatter [tilespmem:s17], [sflag:$0x2], $0x4000, $0x38;
	[tilespmem:$0x4100] =	vst v63  }
0x2c: {  	_ = 	snop  }
0x2d: {  	[hbm4b:s12+s3] =	stream.linear.scatter [tilespmem:s17], [sflag:$0x2], $0x4000, $0x38;
	[tilespmem:$0x4100] =	vst v63  }
0x2e: {  	s30 =	spop (v2sf)  }
0x2f: {  	[hbm4b:s13+s3] =	stream.linear.scatter [tilespmem:s17], [sflag:$0x2], $0x4000, $0x38;
	[tilespmem:$0x4100] =	vst v63  }
0x30: {  	s21 =	spop (v2sf)  }
0x31: {  	_ =	swait.ge [sflag:s18], $0x4000  }
0x32: {  	[sflag:s18] =	ssyncset.done $0x0  }
0x33: {  	[sflag:s18] =	ssyncadd.s32 $0xFFFFC000  }
0x34: {  	_ =	swait.ge [sflag:s18], $0x4000  }
0x35: {  	[sflag:s18] =	ssyncset.done $0x0  }
0x36: {  	[sflag:s18] =	ssyncadd.s32 $0xFFFFC000  }
0x37: {  	_ =	swait.ge [sflag:s18], $0x4000  }
0x38: {  	[sflag:s18] =	ssyncset.done $0x0  }
0x39: {  	s20 =	sshll.u32 s30, $0xB;
	[sflag:s18] =	ssyncadd.s32 $0xFFFFC000  }
0x3a: {  	s20 =	sadd.s32 s21, s20;
	s21 =	sand.u32 $0xF, s21;
	_ =	swait.ge [sflag:s18], $0x4000  }
0x3b: {  	s22 =	sshra.s32 s20, $0x1F;
	p0 =	slt.s32 s20, $0x1;
	[sflag:s18] =	ssyncset.done $0x0  }
0x3c: {  	p1 =	sne.s32 s21, $0x0;
	s31 =	sshrl.u32 s22, $0x1C;
	[sflag:s18] =	ssyncadd.s32 $0xFFFFC000  }
0x3d: {  	p0 =	por !p1, !p0;
	s22 =	simm.s32 $0x1;
	_ =	swait.ge [sflag:s18], $0x4000  }
0x3e: {  	s21 =	sadd.s32 s31, s20;
	p0 =	por !p0, !p0;
	[sflag:s18] =	ssyncset.done $0x0  }
0x3f: {  	s21 =	sshrl.u32 s21, $0x4;
	s22 =	simm.s32 @!p0 $0x0;
	[sflag:s18] =	ssyncadd.s32 $0xFFFFC000  }
0x40: {  	s21 =	ssub.s32 s21, s22;
	_ =	swait.ge [sflag:s18], $0x4000  }
0x41: {  	s21 =	sshll.u32 s21, $0x4;
	[sflag:s18] =	ssyncset.done $0x0  }
0x42: {  	p0 =	slt.s32 s21, s4;
	[sflag:s18] =	ssyncadd.s32 $0xFFFFC000  }
0x43: {  	p1 =	sge.s32 @!p0 s21, s14;
	_ =	swait.ge [sflag:s18], $0x4000  }
0x44: {  	p0 =	por p1, p0;
	[sflag:s18] =	ssyncset.done $0x0  }
0x45: {  	s20 =	ssub.s32 @!p0 s20, s21;
	[sflag:s18] =	ssyncadd.s32 $0xFFFFC000  }
0x46: {  	v2 =	vlaneseq.u32 @!p0;
	v1 =	vmov @!p0 s20;
	_ =	swait.ge [sflag:s18], $0x4000  }
0x47: {  	s19 =	sadd.s32 $0x1, s19;
	vm0 =	veq.s32 @!p0 v1, v2;
	v1 =	vimm.f32 @!p0 $0.0e+00;
	[sflag:s18] =	ssyncset.done $0x0  }
0x48: {  	p1 =	sne.s32 s19, s15;
	s20 =	sshrl.u32 @!p0 s21, $0x3;
	v1 =	vsel @!p0 vm0, $0x3F800000, v1;
	[sflag:s18] =	ssyncadd.s32 $0xFFFFC000  }
0x49: {  	s22 =	simm.s32 @!p0 $0x4080;
	s21 =	simm.s32 @!p0 $0x0;
	s20 =	sadd.s32 @!p0 s5, s20;
	[tilespmem:$0x4080] =	vst @!p0 v1  }
0x4a: {  	[hbm4b:s20+s21] =	stream.linear.scatter @!p0 [tilespmem:s22], [sflag:$0x3], $0x10, $0x38;
	[tilespmem:$0x4100] =	vst v63  }
.Ltmp1:
0x4b: {  	_ = 	snop;
	(pc) =	sbr.rel @p1 .LBB2_1-.Ltmp1, $4  }
0x4c: {  	s20 =	simm.s32 @!p0 $0x3  }
0x4d: {  	_ =	swait.ge @!p0 [sflag:s20], $0x10  }
0x4e: {  	[sflag:s20] =	ssyncset.done @!p0 $0x0  }
0x4f: {  	[sflag:s20] =	ssyncadd.s32 @!p0 $0xFFFFFFF0  }
0x50: {  	_ =	sfence.sel $0x180000  }
0x51: {  	[bflag:$0x0] =	sbarrier.arrive $0xFFFF  }
0x52: {  	p0 =	sne.s32 s0, $0x0;
	_ =	strace $0x90000047  }
0x53: {  	s0 =	sadd.s32 @!p0 $0x100000, s1;
	[bflag:$0x2] =	sbarrier.arrive $0xFFFF  }
0x54: {  	[sflag:s0] =	ssyncadd.tile.s32 @!p0 $0x1;
	_ =	shalt  }
.Lfunc_end2:
_tile_overlayer_lowered:
.L_overlay_start_2:
0x55: {  	(tag) =	ssettag $0x2  }
0x56: {  	s0 =	rddreg [dreg:$0x0];
	s2 =	stileid.u32  }
0x57: {  	s1 =	rddreg [dreg:$0x1];
	p0 =	sne.s32 s2, $0x0  }
0x58: {  	s3 =	rddreg [dreg:$0x2];
	[bflag:$0x3] =	sbarrier.arrive $0xFFFF;
	s2 =	simm.s32 @!p0 $0x1C04  }
0x59: {  	[timem:s3], [sflag:s2] =	dma.local @!p0 [hbm:s0], s1  }
0x5a: {  	s0 =	simm.s32 @!p0 $0x4  }
0x5b: {  	_ =	swait.ge @!p0 [sflag:s0], s1  }
0x5c: {  	s1 =	ssub.s32 @!p0 $0x0, s1;
	[sflag:s0] =	ssyncset.done @!p0 $0x0  }
0x5d: {  	[sflag:s0] =	ssyncadd.s32 @!p0 s1  }
0x5e: {  	[bflag:$0x3] =	sbarrier.arrive $0xFFFF  }
0x5f: {  	_ =	shalt  }

</sc_bundles>
